<compile_context>
chip_gen: v7x
topology: tpu7x:2x2x1
jax: 0.10.2.dev20260603
libtpu: 0.0.44.dev20260713+nightly
codegen_flags: <defaults>
</compile_context>

<pallas_src>
import functools

import jax
import jax.numpy as jnp
from jax.experimental import pallas as pl
from jax.experimental.pallas import tpu as pltpu
from jax.experimental.pallas import tpu_sc as plsc

_mesh = plsc.ScalarSubcoreMesh(axis_name="c", num_cores=1)


@functools.partial(
    pl.kernel,
    mesh=_mesh,
    out_type=jax.ShapeDtypeStruct((4, 2, 2, 3), jnp.float32),
    scratch_types=[
        pltpu.SMEM((2, 2, 3), jnp.float32),
        pltpu.SemaphoreType.DMA,
    ],
)
def _scatter_overwrite(x_hbm, out_hbm, z_smem, sem):
    for i in range(2):
        for j in range(2):
            for k in range(3):
                z_smem[i, j, k] = 0.0
    copies = [
        pltpu.async_copy(z_smem, out_hbm.at[0], sem),
        pltpu.async_copy(x_hbm, out_hbm.at[1], sem),
        pltpu.async_copy(x_hbm, out_hbm.at[2], sem),
        pltpu.async_copy(z_smem, out_hbm.at[3], sem),
    ]
    for c in copies:
        c.wait()


def kernel(x):
    return _scatter_overwrite(x)

# --- scband reference (transcript-rebuilt; emitter-appended) ---
"""Pipeline reference for scband-model-11879879541480 (READ-ONLY COPY).

The authoritative reference and input builder live on the scoring server;
editing this copy changes nothing except your own understanding.
"""

import jax, jax.numpy as jnp
import numpy as np

def setup_inputs(seed: int = 0) -> dict:
    key = jax.random.key(seed)
    x = jax.random.normal(key, (2, 2, 3), dtype=jnp.float32)
    return {"x": x}

def reference(x):
    n = x.shape[0]  # 2
    # torch: v = x.split(2); v[0] is the first chunk of size 2 along dim 0
    v0 = x[:2]
    y = jnp.zeros((4, 2, 2, 3), dtype=x.dtype)
    z = jnp.array([i + 1 for i in range(n)], dtype=jnp.int32)  # [1, 2]
    # torch: y[z] = v[0]  -> scatter-overwrite rows 1 and 2
    y = y.at[z].set(v0)
    return y

if __name__ == "__main__":
    import jax
    _d = setup_inputs()
    print(jax.jit(kernel)(*tuple(_d.values())))

</pallas_src>

<mosaic_0001>
#map = affine_map<(d0) -> (0, 0, 0)>
#map1 = affine_map<(d0) -> (0, 0, 0, 0)>
module attributes {stable_mosaic.version = 14 : i64} {
  func.func @_scatter_overwrite(%arg0: i32, %arg1: memref<2x2x3xf32, #tpu.memory_space<hbm>>, %arg2: memref<4x2x2x3xf32, #tpu.memory_space<hbm>>, %arg3: memref<2x2x3xf32, #tpu.memory_space<smem>>, %arg4: memref<!tpu.dma_semaphore, #tpu.memory_space<semaphore_mem>>) attributes {dimension_semantics = [#tpu.dimension_semantics<core_parallel>], iteration_bounds = array<i64: 1>, scalar_prefetch = 0 : i64, scratch_operands = 2 : i64, tpu.core_type = #tpu.core_type<sc_scalar_subcore>, window_params = [{transform_indices = #map}, {transform_indices = #map1}]} {
    %swap3A = arith.constant 0.000000e+00 : f32
    %swap3A_0 = arith.constant 0 : i32
    %swap3A_1 = arith.constant 0 : i32
    %swap3A_2 = arith.constant 0 : i32
    %swap3A_3 = arith.index_cast %swap3A_0 : i32 to index
    %swap3A_4 = arith.index_cast %swap3A_1 : i32 to index
    %swap3A_5 = arith.index_cast %swap3A_2 : i32 to index
    %swap3A_6 = memref.load %arg3[%swap3A_3, %swap3A_4, %swap3A_5] : memref<2x2x3xf32, #tpu.memory_space<smem>>
    memref.store %swap3A, %arg3[%swap3A_3, %swap3A_4, %swap3A_5] : memref<2x2x3xf32, #tpu.memory_space<smem>>
    %swap3A_7 = arith.constant 0.000000e+00 : f32
    %swap3A_8 = arith.constant 0 : i32
    %swap3A_9 = arith.constant 0 : i32
    %swap3A_10 = arith.constant 1 : i32
    %swap3A_11 = arith.index_cast %swap3A_8 : i32 to index
    %swap3A_12 = arith.index_cast %swap3A_9 : i32 to index
    %swap3A_13 = arith.index_cast %swap3A_10 : i32 to index
    %swap3A_14 = memref.load %arg3[%swap3A_11, %swap3A_12, %swap3A_13] : memref<2x2x3xf32, #tpu.memory_space<smem>>
    memref.store %swap3A_7, %arg3[%swap3A_11, %swap3A_12, %swap3A_13] : memref<2x2x3xf32, #tpu.memory_space<smem>>
    %swap3A_15 = arith.constant 0.000000e+00 : f32
    %swap3A_16 = arith.constant 0 : i32
    %swap3A_17 = arith.constant 0 : i32
    %swap3A_18 = arith.constant 2 : i32
    %swap3A_19 = arith.index_cast %swap3A_16 : i32 to index
    %swap3A_20 = arith.index_cast %swap3A_17 : i32 to index
    %swap3A_21 = arith.index_cast %swap3A_18 : i32 to index
    %swap3A_22 = memref.load %arg3[%swap3A_19, %swap3A_20, %swap3A_21] : memref<2x2x3xf32, #tpu.memory_space<smem>>
    memref.store %swap3A_15, %arg3[%swap3A_19, %swap3A_20, %swap3A_21] : memref<2x2x3xf32, #tpu.memory_space<smem>>
    %swap3A_23 = arith.constant 0.000000e+00 : f32
    %swap3A_24 = arith.constant 0 : i32
    %swap3A_25 = arith.constant 1 : i32
    %swap3A_26 = arith.constant 0 : i32
    %swap3A_27 = arith.index_cast %swap3A_24 : i32 to index
    %swap3A_28 = arith.index_cast %swap3A_25 : i32 to index
    %swap3A_29 = arith.index_cast %swap3A_26 : i32 to index
    %swap3A_30 = memref.load %arg3[%swap3A_27, %swap3A_28, %swap3A_29] : memref<2x2x3xf32, #tpu.memory_space<smem>>
    memref.store %swap3A_23, %arg3[%swap3A_27, %swap3A_28, %swap3A_29] : memref<2x2x3xf32, #tpu.memory_space<smem>>
    %swap3A_31 = arith.constant 0.000000e+00 : f32
    %swap3A_32 = arith.constant 0 : i32
    %swap3A_33 = arith.constant 1 : i32
    %swap3A_34 = arith.constant 1 : i32
    %swap3A_35 = arith.index_cast %swap3A_32 : i32 to index
    %swap3A_36 = arith.index_cast %swap3A_33 : i32 to index
    %swap3A_37 = arith.index_cast %swap3A_34 : i32 to index
    %swap3A_38 = memref.load %arg3[%swap3A_35, %swap3A_36, %swap3A_37] : memref<2x2x3xf32, #tpu.memory_space<smem>>
    memref.store %swap3A_31, %arg3[%swap3A_35, %swap3A_36, %swap3A_37] : memref<2x2x3xf32, #tpu.memory_space<smem>>
    %swap3A_39 = arith.constant 0.000000e+00 : f32
    %swap3A_40 = arith.constant 0 : i32
    %swap3A_41 = arith.constant 1 : i32
    %swap3A_42 = arith.constant 2 : i32
    %swap3A_43 = arith.index_cast %swap3A_40 : i32 to index
    %swap3A_44 = arith.index_cast %swap3A_41 : i32 to index
    %swap3A_45 = arith.index_cast %swap3A_42 : i32 to index
    %swap3A_46 = memref.load %arg3[%swap3A_43, %swap3A_44, %swap3A_45] : memref<2x2x3xf32, #tpu.memory_space<smem>>
    memref.store %swap3A_39, %arg3[%swap3A_43, %swap3A_44, %swap3A_45] : memref<2x2x3xf32, #tpu.memory_space<smem>>
    %swap3A_47 = arith.constant 0.000000e+00 : f32
    %swap3A_48 = arith.constant 1 : i32
    %swap3A_49 = arith.constant 0 : i32
    %swap3A_50 = arith.constant 0 : i32
    %swap3A_51 = arith.index_cast %swap3A_48 : i32 to index
    %swap3A_52 = arith.index_cast %swap3A_49 : i32 to index
    %swap3A_53 = arith.index_cast %swap3A_50 : i32 to index
    %swap3A_54 = memref.load %arg3[%swap3A_51, %swap3A_52, %swap3A_53] : memref<2x2x3xf32, #tpu.memory_space<smem>>
    memref.store %swap3A_47, %arg3[%swap3A_51, %swap3A_52, %swap3A_53] : memref<2x2x3xf32, #tpu.memory_space<smem>>
    %swap3A_55 = arith.constant 0.000000e+00 : f32
    %swap3A_56 = arith.constant 1 : i32
    %swap3A_57 = arith.constant 0 : i32
    %swap3A_58 = arith.constant 1 : i32
    %swap3A_59 = arith.index_cast %swap3A_56 : i32 to index
    %swap3A_60 = arith.index_cast %swap3A_57 : i32 to index
    %swap3A_61 = arith.index_cast %swap3A_58 : i32 to index
    %swap3A_62 = memref.load %arg3[%swap3A_59, %swap3A_60, %swap3A_61] : memref<2x2x3xf32, #tpu.memory_space<smem>>
    memref.store %swap3A_55, %arg3[%swap3A_59, %swap3A_60, %swap3A_61] : memref<2x2x3xf32, #tpu.memory_space<smem>>
    %swap3A_63 = arith.constant 0.000000e+00 : f32
    %swap3A_64 = arith.constant 1 : i32
    %swap3A_65 = arith.constant 0 : i32
    %swap3A_66 = arith.constant 2 : i32
    %swap3A_67 = arith.index_cast %swap3A_64 : i32 to index
    %swap3A_68 = arith.index_cast %swap3A_65 : i32 to index
    %swap3A_69 = arith.index_cast %swap3A_66 : i32 to index
    %swap3A_70 = memref.load %arg3[%swap3A_67, %swap3A_68, %swap3A_69] : memref<2x2x3xf32, #tpu.memory_space<smem>>
    memref.store %swap3A_63, %arg3[%swap3A_67, %swap3A_68, %swap3A_69] : memref<2x2x3xf32, #tpu.memory_space<smem>>
    %swap3A_71 = arith.constant 0.000000e+00 : f32
    %swap3A_72 = arith.constant 1 : i32
    %swap3A_73 = arith.constant 1 : i32
    %swap3A_74 = arith.constant 0 : i32
    %swap3A_75 = arith.index_cast %swap3A_72 : i32 to index
    %swap3A_76 = arith.index_cast %swap3A_73 : i32 to index
    %swap3A_77 = arith.index_cast %swap3A_74 : i32 to index
    %swap3A_78 = memref.load %arg3[%swap3A_75, %swap3A_76, %swap3A_77] : memref<2x2x3xf32, #tpu.memory_space<smem>>
    memref.store %swap3A_71, %arg3[%swap3A_75, %swap3A_76, %swap3A_77] : memref<2x2x3xf32, #tpu.memory_space<smem>>
    %swap3A_79 = arith.constant 0.000000e+00 : f32
    %swap3A_80 = arith.constant 1 : i32
    %swap3A_81 = arith.constant 1 : i32
    %swap3A_82 = arith.constant 1 : i32
    %swap3A_83 = arith.index_cast %swap3A_80 : i32 to index
    %swap3A_84 = arith.index_cast %swap3A_81 : i32 to index
    %swap3A_85 = arith.index_cast %swap3A_82 : i32 to index
    %swap3A_86 = memref.load %arg3[%swap3A_83, %swap3A_84, %swap3A_85] : memref<2x2x3xf32, #tpu.memory_space<smem>>
    memref.store %swap3A_79, %arg3[%swap3A_83, %swap3A_84, %swap3A_85] : memref<2x2x3xf32, #tpu.memory_space<smem>>
    %swap3A_87 = arith.constant 0.000000e+00 : f32
    %swap3A_88 = arith.constant 1 : i32
    %swap3A_89 = arith.constant 1 : i32
    %swap3A_90 = arith.constant 2 : i32
    %swap3A_91 = arith.index_cast %swap3A_88 : i32 to index
    %swap3A_92 = arith.index_cast %swap3A_89 : i32 to index
    %swap3A_93 = arith.index_cast %swap3A_90 : i32 to index
    %swap3A_94 = memref.load %arg3[%swap3A_91, %swap3A_92, %swap3A_93] : memref<2x2x3xf32, #tpu.memory_space<smem>>
    memref.store %swap3A_87, %arg3[%swap3A_91, %swap3A_92, %swap3A_93] : memref<2x2x3xf32, #tpu.memory_space<smem>>
    %dma_start3A = arith.constant 0 : i32
    %dma_start3A_95 = arith.constant 0 : i32
    %dma_start3A_96 = arith.constant 0 : i32
    %dma_start3A_97 = arith.constant 0 : i32
    %dma_start3A_98 = tpu.memref_slice %arg2[%dma_start3A, %dma_start3A_95, %dma_start3A_96, %dma_start3A_97] : memref<4x2x2x3xf32, #tpu.memory_space<hbm>> -> memref<1x2x2x3xf32, #tpu.memory_space<hbm>>
    %dma_start3A_99 = tpu.memref_squeeze %dma_start3A_98 : memref<1x2x2x3xf32, #tpu.memory_space<hbm>> -> memref<2x2x3xf32, #tpu.memory_space<hbm>>
    tpu.enqueue_dma source(%arg3 : memref<2x2x3xf32, #tpu.memory_space<smem>>) target(%dma_start3A_99 : memref<2x2x3xf32, #tpu.memory_space<hbm>>) target_semaphore(%arg4 : memref<!tpu.dma_semaphore, #tpu.memory_space<semaphore_mem>>)
    %dma_start3A_100 = arith.constant 1 : i32
    %dma_start3A_101 = arith.constant 0 : i32
    %dma_start3A_102 = arith.constant 0 : i32
    %dma_start3A_103 = arith.constant 0 : i32
    %dma_start3A_104 = tpu.memref_slice %arg2[%dma_start3A_100, %dma_start3A_101, %dma_start3A_102, %dma_start3A_103] : memref<4x2x2x3xf32, #tpu.memory_space<hbm>> -> memref<1x2x2x3xf32, #tpu.memory_space<hbm>>
    %dma_start3A_105 = tpu.memref_squeeze %dma_start3A_104 : memref<1x2x2x3xf32, #tpu.memory_space<hbm>> -> memref<2x2x3xf32, #tpu.memory_space<hbm>>
    tpu.enqueue_dma source(%arg1 : memref<2x2x3xf32, #tpu.memory_space<hbm>>) target(%dma_start3A_105 : memref<2x2x3xf32, #tpu.memory_space<hbm>>) target_semaphore(%arg4 : memref<!tpu.dma_semaphore, #tpu.memory_space<semaphore_mem>>)
    %dma_start3A_106 = arith.constant 2 : i32
    %dma_start3A_107 = arith.constant 0 : i32
    %dma_start3A_108 = arith.constant 0 : i32
    %dma_start3A_109 = arith.constant 0 : i32
    %dma_start3A_110 = tpu.memref_slice %arg2[%dma_start3A_106, %dma_start3A_107, %dma_start3A_108, %dma_start3A_109] : memref<4x2x2x3xf32, #tpu.memory_space<hbm>> -> memref<1x2x2x3xf32, #tpu.memory_space<hbm>>
    %dma_start3A_111 = tpu.memref_squeeze %dma_start3A_110 : memref<1x2x2x3xf32, #tpu.memory_space<hbm>> -> memref<2x2x3xf32, #tpu.memory_space<hbm>>
    tpu.enqueue_dma source(%arg1 : memref<2x2x3xf32, #tpu.memory_space<hbm>>) target(%dma_start3A_111 : memref<2x2x3xf32, #tpu.memory_space<hbm>>) target_semaphore(%arg4 : memref<!tpu.dma_semaphore, #tpu.memory_space<semaphore_mem>>)
    %dma_start3A_112 = arith.constant 3 : i32
    %dma_start3A_113 = arith.constant 0 : i32
    %dma_start3A_114 = arith.constant 0 : i32
    %dma_start3A_115 = arith.constant 0 : i32
    %dma_start3A_116 = tpu.memref_slice %arg2[%dma_start3A_112, %dma_start3A_113, %dma_start3A_114, %dma_start3A_115] : memref<4x2x2x3xf32, #tpu.memory_space<hbm>> -> memref<1x2x2x3xf32, #tpu.memory_space<hbm>>
    %dma_start3A_117 = tpu.memref_squeeze %dma_start3A_116 : memref<1x2x2x3xf32, #tpu.memory_space<hbm>> -> memref<2x2x3xf32, #tpu.memory_space<hbm>>
    tpu.enqueue_dma source(%arg3 : memref<2x2x3xf32, #tpu.memory_space<smem>>) target(%dma_start3A_117 : memref<2x2x3xf32, #tpu.memory_space<hbm>>) target_semaphore(%arg4 : memref<!tpu.dma_semaphore, #tpu.memory_space<semaphore_mem>>)
    %dma_wait3A = arith.constant 0 : i32
    %dma_wait3A_118 = arith.constant 0 : i32
    %dma_wait3A_119 = arith.constant 0 : i32
    %dma_wait3A_120 = arith.constant 0 : i32
    %dma_wait3A_121 = tpu.memref_slice %arg2[%dma_wait3A, %dma_wait3A_118, %dma_wait3A_119, %dma_wait3A_120] : memref<4x2x2x3xf32, #tpu.memory_space<hbm>> -> memref<1x2x2x3xf32, #tpu.memory_space<hbm>>
    %dma_wait3A_122 = tpu.memref_squeeze %dma_wait3A_121 : memref<1x2x2x3xf32, #tpu.memory_space<hbm>> -> memref<2x2x3xf32, #tpu.memory_space<hbm>>
    tpu.wait_dma2 semaphore(%arg4 : memref<!tpu.dma_semaphore, #tpu.memory_space<semaphore_mem>>) src(%arg3 : memref<2x2x3xf32, #tpu.memory_space<smem>>) dst(%dma_wait3A_122 : memref<2x2x3xf32, #tpu.memory_space<hbm>>)
    %dma_wait3A_123 = arith.constant 1 : i32
    %dma_wait3A_124 = arith.constant 0 : i32
    %dma_wait3A_125 = arith.constant 0 : i32
    %dma_wait3A_126 = arith.constant 0 : i32
    %dma_wait3A_127 = tpu.memref_slice %arg2[%dma_wait3A_123, %dma_wait3A_124, %dma_wait3A_125, %dma_wait3A_126] : memref<4x2x2x3xf32, #tpu.memory_space<hbm>> -> memref<1x2x2x3xf32, #tpu.memory_space<hbm>>
    %dma_wait3A_128 = tpu.memref_squeeze %dma_wait3A_127 : memref<1x2x2x3xf32, #tpu.memory_space<hbm>> -> memref<2x2x3xf32, #tpu.memory_space<hbm>>
    tpu.wait_dma2 semaphore(%arg4 : memref<!tpu.dma_semaphore, #tpu.memory_space<semaphore_mem>>) src(%arg1 : memref<2x2x3xf32, #tpu.memory_space<hbm>>) dst(%dma_wait3A_128 : memref<2x2x3xf32, #tpu.memory_space<hbm>>)
    %dma_wait3A_129 = arith.constant 2 : i32
    %dma_wait3A_130 = arith.constant 0 : i32
    %dma_wait3A_131 = arith.constant 0 : i32
    %dma_wait3A_132 = arith.constant 0 : i32
    %dma_wait3A_133 = tpu.memref_slice %arg2[%dma_wait3A_129, %dma_wait3A_130, %dma_wait3A_131, %dma_wait3A_132] : memref<4x2x2x3xf32, #tpu.memory_space<hbm>> -> memref<1x2x2x3xf32, #tpu.memory_space<hbm>>
    %dma_wait3A_134 = tpu.memref_squeeze %dma_wait3A_133 : memref<1x2x2x3xf32, #tpu.memory_space<hbm>> -> memref<2x2x3xf32, #tpu.memory_space<hbm>>
    tpu.wait_dma2 semaphore(%arg4 : memref<!tpu.dma_semaphore, #tpu.memory_space<semaphore_mem>>) src(%arg1 : memref<2x2x3xf32, #tpu.memory_space<hbm>>) dst(%dma_wait3A_134 : memref<2x2x3xf32, #tpu.memory_space<hbm>>)
    %dma_wait3A_135 = arith.constant 3 : i32
    %dma_wait3A_136 = arith.constant 0 : i32
    %dma_wait3A_137 = arith.constant 0 : i32
    %dma_wait3A_138 = arith.constant 0 : i32
    %dma_wait3A_139 = tpu.memref_slice %arg2[%dma_wait3A_135, %dma_wait3A_136, %dma_wait3A_137, %dma_wait3A_138] : memref<4x2x2x3xf32, #tpu.memory_space<hbm>> -> memref<1x2x2x3xf32, #tpu.memory_space<hbm>>
    %dma_wait3A_140 = tpu.memref_squeeze %dma_wait3A_139 : memref<1x2x2x3xf32, #tpu.memory_space<hbm>> -> memref<2x2x3xf32, #tpu.memory_space<hbm>>
    tpu.wait_dma2 semaphore(%arg4 : memref<!tpu.dma_semaphore, #tpu.memory_space<semaphore_mem>>) src(%arg3 : memref<2x2x3xf32, #tpu.memory_space<smem>>) dst(%dma_wait3A_140 : memref<2x2x3xf32, #tpu.memory_space<hbm>>)
    return
  }
}

</mosaic_0001>

<sc_bundles>
// kernel: kernel.3.cloned.1.call-start
scs
__scs_entry_jumppad:
0x0: {  	(pc) =	sbr.rel $0x88, $3  }
0x1: {  	(tag) =	ssettag $0x0;
	lr =	simm.s32 $0x1  }
0x2: {  	[smem:$0x3FA0] =	sst lr;
	_ =	strace $0xD0000000  }
0x3: {  	_ = 	snop  }
0x4: {  	_ = 	snop  }
0x5: {  	_ = 	snop  }
0x6: {  	_ = 	snop  }
0x7: {  	_ = 	snop  }
__scs_overlays_trampoline_lowered:
0x8: {  	[smem:$0x3FAF] =	sst s0  }
0x9: {  	[smem:$0x3FB0] =	sst s1  }
0xa: {  	[smem:$0x3FB1] =	sst s2  }
0xb: {  	[smem:$0x3FB2] =	sst s3  }
0xc: {  	[smem:$0x3FB3] =	sst s4  }
0xd: {  	[smem:$0x3FB4] =	sst s5  }
0xe: {  	[smem:$0x3FB5] =	sst s6  }
0xf: {  	[smem:$0x3FB6] =	sst s7  }
0x10: {  	[smem:$0x3FB7] =	sst s8  }
0x11: {  	[smem:$0x3FB8] =	sst s9;
	s0 =	simm.s32 @!p0 $0x0  }
0x12: {  	s1 =	sld [smem:$0x3F9E];
	s0 =	simm.s32 @p0 $0x1  }
0x13: {  	[smem:$0x3FB9] =	sst s0;
	s0 =	simm.s32 @!p1 $0x0  }
0x14: {  	s2 =	sld [smem:$0x3F9D];
	s0 =	simm.s32 @p1 $0x1  }
0x15: {  	[smem:$0x3FBA] =	sst s0;
	s0 =	simm.s32 @!p2 $0x0  }
0x16: {  	s3 =	sld [smem:$0x3FDB];
	s0 =	simm.s32 @p2 $0x1  }
0x17: {  	s4 =	simm.s32 $0x1BF5;
	[smem:$0x3FBC] =	sst s0  }
0x18: {  	s0 =	sld [smem:$0x3F9F];
	_ =	swait.ge [sflag:s4], $0x0  }
0x19: {  	s7 =	sld [smem:$0x3FA0]  }
0x1a: {  	s8 =	sadd.s32 $0xFFFFE003, lr  }
0x1b: {  	s9 =	sadd.s32 $0xFFFFFEF7, lr;
	s5 =	simm.s32 $0xFFFFFFFF;
	p2 =	slt.u32 s8, $0xFFFFF086  }
0x1c: {  	p1 =	slt.u32 s9, $0xF7A;
	s5 =	simm.s32 @!p2 $0x0  }
0x1d: {  	s5 =	simm.s32 @p1 $0x1;
	p0 =	seq.s32 s7, s2  }
0x1e: {  	s7 =	smul.u32 @!p0 $0xF7A, s2;
	p2 =	seq.s32 @!p0 s5, $0x0  }
0x1f: {  	s9 =	smul.u32 $0xF7A, s1;
	s8 =	simm.s32 @!p0 $0x1BF5;
	p2 =	por !p2, p0  }
0x20: {  	[sflag:s8] =	ssyncset.s32 @!p0 $0xFFFFF086;
	s6 =	sadd.s32 @!p0 s3, s7;
	s7 =	simm.s32 @!p0 $0x108  }
0x21: {  	s3 =	sadd.s32 s3, s9;
	s6 =	sadd.s32 @!p0 $0x88, s6;
	s7 =	simm.s32 @p2 $0x1082  }
0x22: {  	[simem:s7], [sflag:s8] =	dma.local @!p0 [hbm:s6], $0xF7A  }
0x23: {  	s9 =	sor.u32 $0xD0000000, s2;
	s6 =	simm.s32 $0x108;
	_ =	swait.ge @!p0 [sflag:s8], $0x0  }
0x24: {  	s3 =	sadd.s32 $0x88, s3;
	s6 =	simm.s32 @!p1 $0x1082;
	[sflag:s4] =	ssyncset.s32 $0xFFFFF086  }
0x25: {  	[simem:s6], [sflag:s4] =	dma.local [hbm:s3], $0xF7A  }
0x26: {  	[smem:$0x3FA0] =	sst s1;
	(tag) =	ssettag s2;
	_ =	strace s9  }
0x27: {  	s1 =	sld [smem:$0x3FB0]  }
0x28: {  	s2 =	sld [smem:$0x3FB1]  }
0x29: {  	s4 =	sld [smem:$0x3FB3]  }
0x2a: {  	p0 =	seq.s32 s5, $0x0;
	s5 =	sld [smem:$0x3FB4]  }
0x2b: {  	s6 =	sld [smem:$0x3FB5]  }
0x2c: {  	s7 =	sld [smem:$0x3FB6]  }
0x2d: {  	s3 =	simm.s32 $0x108;
	s8 =	sld [smem:$0x3FB7]  }
0x2e: {  	s3 =	simm.s32 @!p0 $0x1082;
	s9 =	sld [smem:$0x3FB8]  }
0x2f: {  	lr =	sadd.s32 s0, s3;
	s0 =	sld [smem:$0x3FAF]  }
0x30: {  	s3 =	sld [smem:$0x3FB2]  }
0x31: {  	[smem:$0x3FBB] =	sst s10  }
0x32: {  	s10 =	sld [smem:$0x3FB9];
	_ =	sdelay $0x3  }
0x33: {  	p0 =	seq.s32 s10, $0x1;
	s10 =	sld [smem:$0x3FBB];
	_ =	sdelay $0x3  }
0x34: {  	[smem:$0x3FBB] =	sst s10  }
0x35: {  	s10 =	sld [smem:$0x3FBA];
	_ =	sdelay $0x3  }
0x36: {  	p1 =	seq.s32 s10, $0x1;
	s10 =	sld [smem:$0x3FBB];
	_ =	sdelay $0x3  }
0x37: {  	[smem:$0x3FBB] =	sst s10  }
0x38: {  	s10 =	sld [smem:$0x3FBC]  }
0x39: {  	_ = 	snop;
	(pc) =	sbr.ind lr, $3  }
0x3a: {  	_ = 	snop  }
0x3b: {  	_ = 	snop  }
0x3c: {  	p2 =	seq.s32 s10, $0x1;
	s10 =	sld [smem:$0x3FBB]  }
0x3d: {  	_ =	shalt  }
0x3e: {  	_ =	shalt  }
0x3f: {  	_ =	shalt  }
0x40: {  	_ =	shalt  }
0x41: {  	_ =	shalt  }
0x42: {  	_ =	shalt  }
0x43: {  	_ =	shalt  }
0x44: {  	_ =	shalt  }
0x45: {  	_ =	shalt  }
0x46: {  	_ =	shalt  }
0x47: {  	_ =	shalt  }
0x48: {  	_ =	shalt  }
0x49: {  	_ =	shalt  }
0x4a: {  	_ =	shalt  }
0x4b: {  	_ =	shalt  }
0x4c: {  	_ =	shalt  }
0x4d: {  	_ =	shalt  }
0x4e: {  	_ =	shalt  }
0x4f: {  	_ =	shalt  }
0x50: {  	_ =	shalt  }
0x51: {  	_ =	shalt  }
0x52: {  	_ =	shalt  }
0x53: {  	_ =	shalt  }
0x54: {  	_ =	shalt  }
0x55: {  	_ =	shalt  }
0x56: {  	_ =	shalt  }
0x57: {  	_ =	shalt  }
0x58: {  	_ =	shalt  }
0x59: {  	_ =	shalt  }
0x5a: {  	_ =	shalt  }
0x5b: {  	_ =	shalt  }
0x5c: {  	_ =	shalt  }
0x5d: {  	_ =	shalt  }
0x5e: {  	_ =	shalt  }
0x5f: {  	_ =	shalt  }
0x60: {  	_ =	shalt  }
0x61: {  	_ =	shalt  }
0x62: {  	_ =	shalt  }
0x63: {  	_ =	shalt  }
0x64: {  	_ =	shalt  }
0x65: {  	_ =	shalt  }
0x66: {  	_ =	shalt  }
0x67: {  	_ =	shalt  }
0x68: {  	_ =	shalt  }
0x69: {  	_ =	shalt  }
0x6a: {  	_ =	shalt  }
0x6b: {  	_ =	shalt  }
0x6c: {  	_ =	shalt  }
0x6d: {  	_ =	shalt  }
0x6e: {  	_ =	shalt  }
0x6f: {  	_ =	shalt  }
0x70: {  	_ =	shalt  }
0x71: {  	_ =	shalt  }
0x72: {  	_ =	shalt  }
0x73: {  	_ =	shalt  }
0x74: {  	_ =	shalt  }
0x75: {  	_ =	shalt  }
0x76: {  	_ =	shalt  }
0x77: {  	_ =	shalt  }
0x78: {  	_ =	shalt  }
0x79: {  	_ =	shalt  }
0x7a: {  	_ =	shalt  }
0x7b: {  	_ =	shalt  }
0x7c: {  	_ =	shalt  }
0x7d: {  	_ =	shalt  }
0x7e: {  	_ =	shalt  }
0x7f: {  	_ =	shalt  }
0x80: {  	_ =	shalt  }
0x81: {  	_ =	shalt  }
0x82: {  	_ =	shalt  }
0x83: {  	_ =	shalt  }
0x84: {  	_ =	shalt  }
0x85: {  	_ =	shalt  }
0x86: {  	_ =	shalt  }
0x87: {  	_ =	shalt  }
.Lfunc_end0:
.L_simem_size_0:
called_computation_lowered:
.L_overlay_start_0:
0x88: {  	s0 =	sld [smem:$0x3FD9]  }
0x89: {  	s1 =	sld [smem:$0x3FFE];
	_ =	sdelay $0x3  }
0x8a: {  	s0 =	sadd.s32 s1, s0  }
0x8b: {  	s19 =	simm.s32 $0x0;
	[smem:$0x3FC7] =	sst s0  }
0x8c: {  	[smem:$0xF] =	sst s19  }
0x8d: {  	s0 =	sld [smem:$0x3FC9];
	(tm) =	ssettm $0x1  }
0x8e: {  	s2 =	sld [smem:$0x3FFB];
	_ =	sdelay $0x3  }
0x8f: {  	_ =	strace s2  }
0x90: {  	s2 =	sld [smem:$0x3FFC];
	_ =	sdelay $0x3  }
0x91: {  	_ =	strace s2  }
0x92: {  	s2 =	sld [smem:$0x3FFD];
	_ =	sdelay $0x3  }
0x93: {  	_ =	strace s2  }
0x94: {  	s20 =	simm.s32 $0x1B8B;
	_ =	strace $0x8FFFFFFF  }
0x95: {  	_ =	swait.ge [sflag:s20], $0x1  }
0x96: {  	[sflag:s20] =	ssyncset.done $0x0  }
0x97: {  	s3 =	simm.s32 $0x1B8E;
	s21 =	sld [smem:$0x3FFE];
	[sflag:s20] =	ssyncadd.s32 $0xFFFFFFFF  }
0x98: {  	[smem:$0x3FD2] =	sst s3  }
0x99: {  	_ =	strace $0x80000046;
	[smem:$0x10] =	sst s19  }
0x9a: {  	[smem:$0x90] =	sst s19  }
0x9b: {  	[smem:$0x110] =	sst s19  }
0x9c: {  	[smem:$0x190] =	sst s19  }
0x9d: {  	[smem:$0x11] =	sst s19  }
0x9e: {  	[smem:$0x91] =	sst s19  }
0x9f: {  	[smem:$0x111] =	sst s19  }
0xa0: {  	[smem:$0x191] =	sst s19  }
0xa1: {  	[smem:$0x12] =	sst s19  }
0xa2: {  	s23 =	simm.s32 $0x10;
	s4 =	simm.s32 $0x9;
	[smem:$0x92] =	sst s19  }
0xa3: {  	s22 =	sadd.s32 $0x400, s21;
	s24 =	sadd.s32 $0x440, s21;
	[smem:$0x112] =	sst s19  }
0xa4: {  	s25 =	sadd.s32 $0x480, s21;
	s26 =	sadd.s32 $0x4C0, s21;
	[smem:$0x192] =	sst s19  }
0xa5: {  	[hbm:s22], [sflag:s4] =	dma.local [smem:s23], $0x40  }
0xa6: {  	[hbm:s24], [sflag:s4] =	dma.local [hbm:s0], $0x40  }
0xa7: {  	[hbm:s25], [sflag:s4] =	dma.local [hbm:s0], $0x40  }
0xa8: {  	[hbm:s26], [sflag:s4] =	dma.local [smem:s23], $0x40  }
0xa9: {  	_ =	swait.ge [sflag:s4], $0x40  }
0xaa: {  	[sflag:s4] =	ssyncset.done $0x0  }
0xab: {  	[sflag:s4] =	ssyncadd.s32 $0xFFFFFFC0;
	_ =	sdelay $0x2  }
0xac: {  	_ =	swait.ge [sflag:s4], $0x40  }
0xad: {  	[sflag:s4] =	ssyncset.done $0x0  }
0xae: {  	[sflag:s4] =	ssyncadd.s32 $0xFFFFFFC0;
	_ =	sdelay $0x2  }
0xaf: {  	_ =	swait.ge [sflag:s4], $0x40  }
0xb0: {  	[sflag:s4] =	ssyncset.done $0x0  }
0xb1: {  	[sflag:s4] =	ssyncadd.s32 $0xFFFFFFC0;
	_ =	sdelay $0x2  }
0xb2: {  	_ =	swait.ge [sflag:s4], $0x40  }
0xb3: {  	[sflag:s4] =	ssyncset.done $0x0  }
0xb4: {  	[sflag:s4] =	ssyncadd.s32 $0xFFFFFFC0  }
0xb5: {  	_ =	strace $0x90000046  }
0xb6: {  	_ =	sfence  }
0xb7: {  	s28 =	sld [smem:$0x0];
	_ =	sdelay $0x1  }
0xb8: {  	s29 =	srdreg.scid  }
0xb9: {  	s30 =	sshll.u32 s29, $0xD;
	s31 =	sshrl.u32 s29, $0x2  }
0xba: {  	s1 =	sand.u32 $0x1, s29;
	s2 =	sand.u32 $0x4000, s30;
	s0 =	sadd.s32 s31, s28  }
0xbb: {  	s1 =	sor.u32 s2, s1;
	s0 =	sshll.u32 s0, $0x11  }
0xbc: {  	s0 =	sor.u32 s0, s1  }
0xbd: {  	s0 =	sadd.s32 $0x8F2B, s0;
	(pc) =	sbr.abs _section_cstart, $3  }
0xbe: {  	[sflag:s0] =	ssyncadd.remote.s32 $0x1  }
0xbf: {  	_ =	strace $0x9FFFFFFF  }
0xc0: {  	(tm) =	ssettm $0x7FFFFFFF  }
0xc1: {  	_ =	shalt  }

</sc_bundles>
